<compile_context>
chip_gen: v7x
topology: tpu7x:2x2x1
jax: 0.10.2.dev20260603
libtpu: 0.0.44.dev20260713+nightly
codegen_flags: <defaults>
</compile_context>

<pallas_src>
import functools

import jax
import jax.numpy as jnp
from jax import lax
from jax.experimental import pallas as pl
from jax.experimental.pallas import tpu as pltpu
from jax.experimental.pallas import tpu_sc as plsc

T, B, N = 128, 4, 50000
PRED_WINDOW = 64
N_DN, N_MBON = 1024, 96
NC, NS = 2, 16
NW = NC * NS
DN_J = N_DN // (NW // B)
MB_J = 16
MB_GROUPS = N_MBON // MB_J

_mesh = plsc.VectorSubcoreMesh(
    core_axis_name="c", subcore_axis_name="s", num_cores=NC, num_subcores=NS
)


@functools.partial(
    pl.kernel,
    out_type=(
        jax.ShapeDtypeStruct((B * N_DN, T), jnp.float32),
        jax.ShapeDtypeStruct((B * N_MBON, T), jnp.float32),
    ),
    mesh=_mesh,
    scratch_types=[
        pltpu.VMEM((DN_J,), jnp.int32),
        pltpu.VMEM((MB_J,), jnp.int32),
        pltpu.VMEM((DN_J, T), jnp.float32),
        pltpu.VMEM((MB_J, T), jnp.float32),
        pltpu.SemaphoreType.DMA,
        pltpu.SemaphoreType.DMA,
    ],
)
def _sc_gather(table, dn_ids_hbm, mbon_ids_hbm, dn_out, mbon_out,
               didx, midx, dn_rows, mb_rows, sem, sem_mb):
    wid = lax.axis_index("s") * NC + lax.axis_index("c")
    b = wid & 3
    q = wid >> 2
    row_base = b * N
    has_mb = q < MB_GROUPS

    cp_ids = pltpu.async_copy(dn_ids_hbm.at[pl.ds(q * DN_J, DN_J)], didx, sem)

    @pl.when(has_mb)
    def _():
        pltpu.async_copy(mbon_ids_hbm.at[pl.ds(q * MB_J, MB_J)], midx,
                         sem_mb).wait()
        midx[pl.ds(0, 16)] = midx[pl.ds(0, 16)] + row_base
    cp_ids.wait()

    def _mk_dn(i, _):
        didx[pl.ds(i * 16, 16)] = didx[pl.ds(i * 16, 16)] + row_base
        return _
    lax.fori_loop(0, DN_J // 16, _mk_dn, None)

    cp_dn = pltpu.async_copy(table.at[didx], dn_rows, sem)

    @pl.when(has_mb)
    def _():
        pltpu.async_copy(table.at[midx], mb_rows, sem_mb).wait()
        pltpu.async_copy(
            mb_rows, mbon_out.at[pl.ds(b * N_MBON + q * MB_J, MB_J)], sem_mb)

    cp_dn.wait()
    pltpu.sync_copy(dn_rows, dn_out.at[pl.ds(b * N_DN + q * DN_J, DN_J)])

    @pl.when(has_mb)
    def _():
        pltpu.make_async_copy(
            mb_rows, mbon_out.at[pl.ds(b * N_MBON + q * MB_J, MB_J)],
            sem_mb).wait()


def kernel(neuron_v, neuron_spike, dn_ids, mbon_ids):
    del neuron_spike
    table = jnp.transpose(neuron_v, (1, 2, 0)).reshape(B * N, T)
    dn_flat, mbon_flat = _sc_gather(table, dn_ids, mbon_ids)
    dn = jnp.transpose(
        dn_flat.reshape(B, N_DN, T)[:, :, T - PRED_WINDOW:], (2, 0, 1))
    mbon = jnp.transpose(
        mbon_flat.reshape(B, N_MBON, T)[:, :, T - PRED_WINDOW:], (2, 0, 1))
    return dn, mbon

# --- scband reference (transcript-rebuilt; emitter-appended) ---
"""Pipeline reference for scband-env-output-layer-56745107914848 (READ-ONLY COPY).

The authoritative reference and input builder live on the scoring server;
editing this copy changes nothing except your own understanding.
"""

import jax, jax.numpy as jnp
import numpy as np

T, B, N = 128, 4, 50000
N_DN, N_MBON = 1024, 96
PRED_WINDOW = 64

def setup_inputs(seed: int = 0) -> dict:
    key = jax.random.key(seed)
    k1, k2, k3, k4 = jax.random.split(key, 4)
    neuron_v = jax.random.normal(k1, (T, B, N), dtype=jnp.float32)
    neuron_spike = jax.random.uniform(k2, (T, B, N), dtype=jnp.float32)
    dn_ids = jax.random.randint(k3, (N_DN,), 0, N, dtype=jnp.int32)
    mbon_ids = jax.random.randint(k4, (N_MBON,), 0, N, dtype=jnp.int32)
    return {"neuron_v": neuron_v, "neuron_spike": neuron_spike, "dn_ids": dn_ids, "mbon_ids": mbon_ids}

def reference(neuron_v, neuron_spike, dn_ids, mbon_ids):
    # DetectionWindow(pred_window=64): keep last pred_window timesteps (dim 0)
    v = neuron_v[-PRED_WINDOW:, ...]
    spike = neuron_spike[-PRED_WINDOW:, ...]  # sliced in the original forward (x dict is mutated)
    # rate=False -> no rate computation
    # grouped gather over out_attr == 'neuron.v': concat ids, single gather, split
    all_ids = jnp.concatenate([dn_ids, mbon_ids])
    gathered_all = jnp.take(v, all_ids, axis=-1)
    dn_out = gathered_all[..., :N_DN]      # Identity embed
    mbon_out = gathered_all[..., N_DN:]    # Identity embed
    return dn_out, mbon_out

if __name__ == "__main__":
    import jax
    _d = setup_inputs()
    print(jax.jit(kernel)(*tuple(_d.values())))

</pallas_src>

<mosaic_0001>
#map = affine_map<(d0, d1) -> (0, 0)>
#map1 = affine_map<(d0, d1) -> (0)>
module attributes {stable_mosaic.version = 14 : i64} {
  func.func @_sc_gather(%arg0: i32, %arg1: i32, %arg2: memref<200000x128xf32, #tpu.memory_space<hbm>>, %arg3: memref<1024xi32, #tpu.memory_space<hbm>>, %arg4: memref<96xi32, #tpu.memory_space<hbm>>, %arg5: memref<4096x128xf32, #tpu.memory_space<hbm>>, %arg6: memref<384x128xf32, #tpu.memory_space<hbm>>, %arg7: memref<128xi32, #tpu.memory_space<vmem>>, %arg8: memref<16xi32, #tpu.memory_space<vmem>>, %arg9: memref<128x128xf32, #tpu.memory_space<vmem>>, %arg10: memref<16x128xf32, #tpu.memory_space<vmem>>, %arg11: memref<!tpu.dma_semaphore, #tpu.memory_space<semaphore_mem>>, %arg12: memref<!tpu.dma_semaphore, #tpu.memory_space<semaphore_mem>>) attributes {dimension_semantics = [#tpu.dimension_semantics<core_parallel>, #tpu.dimension_semantics<subcore_parallel>], iteration_bounds = array<i64: 2, 16>, scalar_prefetch = 0 : i64, scratch_operands = 6 : i64, tpu.core_type = #tpu.core_type<sc_vector_subcore>, window_params = [{transform_indices = #map}, {transform_indices = #map1}, {transform_indices = #map1}, {transform_indices = #map}, {transform_indices = #map}]} {
    %mul3A = arith.constant 2 : i32
    %mul3A_0 = arith.muli %arg1, %mul3A : i32
    %add3A = arith.addi %mul3A_0, %arg0 : i32
    %and3A = arith.constant 3 : i32
    %and3A_1 = arith.andi %add3A, %and3A : i32
    %shift_right_arithmetic3A = arith.constant 2 : i32
    %shift_right_arithmetic3A_2 = arith.shrsi %add3A, %shift_right_arithmetic3A : i32
    %mul3A_3 = arith.constant 50000 : i32
    %mul3A_4 = arith.muli %and3A_1, %mul3A_3 : i32
    %lt3A = arith.constant 6 : i32
    %lt3A_5 = arith.cmpi slt, %shift_right_arithmetic3A_2, %lt3A : i32
    %mul3A_6 = arith.constant 128 : i32
    %mul3A_7 = arith.muli %shift_right_arithmetic3A_2, %mul3A_6 : i32
    %dma_start3A = tpu.memref_slice %arg3[%mul3A_7] : memref<1024xi32, #tpu.memory_space<hbm>> -> memref<128xi32, #tpu.memory_space<hbm>>
    %dma_start3A_8 = tpu.memref_slice %arg3[%mul3A_7] : memref<1024xi32, #tpu.memory_space<hbm>> -> memref<128xi32, #tpu.memory_space<hbm>>
    tpu.enqueue_dma source(%dma_start3A_8 : memref<128xi32, #tpu.memory_space<hbm>>) target(%arg7 : memref<128xi32, #tpu.memory_space<vmem>>) target_semaphore(%arg11 : memref<!tpu.dma_semaphore, #tpu.memory_space<semaphore_mem>>)
    %convert_element_type3A = arith.extui %lt3A_5 : i1 to i32
    %cond3A = arith.constant 0 : i32
    %cond3A_9 = arith.cmpi ne, %convert_element_type3A, %cond3A : i32
    scf.if %cond3A_9 {
      %mul3A_32 = arith.constant 16 : i32
      %mul3A_33 = arith.muli %shift_right_arithmetic3A_2, %mul3A_32 : i32
      %dma_start3A_34 = tpu.memref_slice %arg4[%mul3A_33] : memref<96xi32, #tpu.memory_space<hbm>> -> memref<16xi32, #tpu.memory_space<hbm>>
      %dma_start3A_35 = tpu.memref_slice %arg4[%mul3A_33] : memref<96xi32, #tpu.memory_space<hbm>> -> memref<16xi32, #tpu.memory_space<hbm>>
      tpu.enqueue_dma source(%dma_start3A_35 : memref<16xi32, #tpu.memory_space<hbm>>) target(%arg8 : memref<16xi32, #tpu.memory_space<vmem>>) target_semaphore(%arg12 : memref<!tpu.dma_semaphore, #tpu.memory_space<semaphore_mem>>)
      %dma_wait3A_36 = tpu.memref_slice %arg4[%mul3A_33] : memref<96xi32, #tpu.memory_space<hbm>> -> memref<16xi32, #tpu.memory_space<hbm>>
      %dma_wait3A_37 = tpu.memref_slice %arg4[%mul3A_33] : memref<96xi32, #tpu.memory_space<hbm>> -> memref<16xi32, #tpu.memory_space<hbm>>
      tpu.wait_dma2 semaphore(%arg12 : memref<!tpu.dma_semaphore, #tpu.memory_space<semaphore_mem>>) src(%dma_wait3A_37 : memref<16xi32, #tpu.memory_space<hbm>>) dst(%arg8 : memref<16xi32, #tpu.memory_space<vmem>>)
      %get3A = arith.constant 0 : index
      %get3A_38 = tpu.vector_load %arg8[%get3A] {strides = array<i32>} : memref<16xi32, #tpu.memory_space<vmem>>, vector<16xi32>,
      %get3A_39 = vector.shape_cast %get3A_38 : vector<16xi32> to vector<16xi32>
      %add3A_40 = vector.broadcast %mul3A_4 : i32 to vector<16xi32>
      %add3A_41 = arith.addi %get3A_39, %add3A_40 : vector<16xi32>
      %swap3A = arith.constant 0 : index
      %swap3A_42 = tpu.vector_load %arg8[%swap3A] {strides = array<i32>} : memref<16xi32, #tpu.memory_space<vmem>>, vector<16xi32>,
      %swap3A_43 = vector.shape_cast %swap3A_42 : vector<16xi32> to vector<16xi32>
      %swap3A_44 = vector.shape_cast %add3A_41 : vector<16xi32> to vector<16xi32>
      tpu.vector_store %arg8[%swap3A], %swap3A_44 {strides = array<i32>} : memref<16xi32, #tpu.memory_space<vmem>>, vector<16xi32>,
    } else {
    }
    %dma_wait3A = tpu.memref_slice %arg3[%mul3A_7] : memref<1024xi32, #tpu.memory_space<hbm>> -> memref<128xi32, #tpu.memory_space<hbm>>
    %dma_wait3A_10 = tpu.memref_slice %arg3[%mul3A_7] : memref<1024xi32, #tpu.memory_space<hbm>> -> memref<128xi32, #tpu.memory_space<hbm>>
    tpu.wait_dma2 semaphore(%arg11 : memref<!tpu.dma_semaphore, #tpu.memory_space<semaphore_mem>>) src(%dma_wait3A_10 : memref<128xi32, #tpu.memory_space<hbm>>) dst(%arg7 : memref<128xi32, #tpu.memory_space<vmem>>)
    %scan3A = arith.constant 0 : i32
    %scan3A_11 = arith.constant 8 : i32
    %scan3A_12 = arith.addi %scan3A, %scan3A_11 : i32
    %scan3A_13 = arith.constant 1 : i32
    scf.for %scan3A_32 = %scan3A to %scan3A_12 step %scan3A_13  : i32 {
      %mul3A_33 = arith.constant 16 : i32
      %mul3A_34 = arith.muli %scan3A_32, %mul3A_33 : i32
      %get3A = arith.index_cast %mul3A_34 : i32 to index
      %get3A_35 = tpu.vector_load %arg7[%get3A] {strides = array<i32>} : memref<128xi32, #tpu.memory_space<vmem>>, vector<16xi32>,
      %get3A_36 = vector.shape_cast %get3A_35 : vector<16xi32> to vector<16xi32>
      %add3A_37 = vector.broadcast %mul3A_4 : i32 to vector<16xi32>
      %add3A_38 = arith.addi %get3A_36, %add3A_37 : vector<16xi32>
      %mul3A_39 = arith.constant 16 : i32
      %mul3A_40 = arith.muli %scan3A_32, %mul3A_39 : i32
      %swap3A = arith.index_cast %mul3A_40 : i32 to index
      %swap3A_41 = tpu.vector_load %arg7[%swap3A] {strides = array<i32>} : memref<128xi32, #tpu.memory_space<vmem>>, vector<16xi32>,
      %swap3A_42 = vector.shape_cast %swap3A_41 : vector<16xi32> to vector<16xi32>
      %swap3A_43 = vector.shape_cast %add3A_38 : vector<16xi32> to vector<16xi32>
      tpu.vector_store %arg7[%swap3A], %swap3A_43 {strides = array<i32>} : memref<128xi32, #tpu.memory_space<vmem>>, vector<16xi32>,
    }
    %scan3A_14 = arith.constant 8 : i32
    %dma_start3A_15 = arith.constant 0 : i32
    %dma_start3A_16 = arith.constant 0 : i32
    %dma_start3A_17 = tpu.memref_slice %arg2[%dma_start3A_15, %dma_start3A_16] : memref<200000x128xf32, #tpu.memory_space<hbm>> -> memref<200000x128xf32, #tpu.memory_space<hbm>>
    tpu.enqueue_indirect_dma source(%dma_start3A_17 : memref<200000x128xf32, #tpu.memory_space<hbm>>) target(%arg9 : memref<128x128xf32, #tpu.memory_space<vmem>>) offsets(%arg7 : memref<128xi32, #tpu.memory_space<vmem>>) semaphore(%arg11 : memref<!tpu.dma_semaphore, #tpu.memory_space<semaphore_mem>>)
    %convert_element_type3A_18 = arith.extui %lt3A_5 : i1 to i32
    %cond3A_19 = arith.constant 0 : i32
    %cond3A_20 = arith.cmpi ne, %convert_element_type3A_18, %cond3A_19 : i32
    scf.if %cond3A_20 {
      %dma_start3A_32 = arith.constant 0 : i32
      %dma_start3A_33 = arith.constant 0 : i32
      %dma_start3A_34 = tpu.memref_slice %arg2[%dma_start3A_32, %dma_start3A_33] : memref<200000x128xf32, #tpu.memory_space<hbm>> -> memref<200000x128xf32, #tpu.memory_space<hbm>>
      tpu.enqueue_indirect_dma source(%dma_start3A_34 : memref<200000x128xf32, #tpu.memory_space<hbm>>) target(%arg10 : memref<16x128xf32, #tpu.memory_space<vmem>>) offsets(%arg8 : memref<16xi32, #tpu.memory_space<vmem>>) semaphore(%arg12 : memref<!tpu.dma_semaphore, #tpu.memory_space<semaphore_mem>>)
      %dma_wait3A_35 = arith.constant 0 : i32
      %dma_wait3A_36 = arith.constant 0 : i32
      %dma_wait3A_37 = tpu.memref_slice %arg2[%dma_wait3A_35, %dma_wait3A_36] : memref<200000x128xf32, #tpu.memory_space<hbm>> -> memref<200000x128xf32, #tpu.memory_space<hbm>>
      tpu.wait_indirect_dma semaphore(%arg12 : memref<!tpu.dma_semaphore, #tpu.memory_space<semaphore_mem>>) src(%dma_wait3A_37 : memref<200000x128xf32, #tpu.memory_space<hbm>>) dst(%arg10 : memref<16x128xf32, #tpu.memory_space<vmem>>)
      %mul3A_38 = arith.constant 96 : i32
      %mul3A_39 = arith.muli %and3A_1, %mul3A_38 : i32
      %mul3A_40 = arith.constant 16 : i32
      %mul3A_41 = arith.muli %shift_right_arithmetic3A_2, %mul3A_40 : i32
      %add3A_42 = arith.addi %mul3A_39, %mul3A_41 : i32
      %dma_start3A_43 = arith.constant 0 : i32
      %dma_start3A_44 = tpu.memref_slice %arg6[%add3A_42, %dma_start3A_43] : memref<384x128xf32, #tpu.memory_space<hbm>> -> memref<16x128xf32, #tpu.memory_space<hbm>>
      %dma_start3A_45 = arith.constant 0 : i32
      %dma_start3A_46 = tpu.memref_slice %arg6[%add3A_42, %dma_start3A_45] : memref<384x128xf32, #tpu.memory_space<hbm>> -> memref<16x128xf32, #tpu.memory_space<hbm>>
      tpu.enqueue_dma source(%arg10 : memref<16x128xf32, #tpu.memory_space<vmem>>) target(%dma_start3A_46 : memref<16x128xf32, #tpu.memory_space<hbm>>) target_semaphore(%arg12 : memref<!tpu.dma_semaphore, #tpu.memory_space<semaphore_mem>>)
    } else {
    }
    %dma_wait3A_21 = arith.constant 0 : i32
    %dma_wait3A_22 = arith.constant 0 : i32
    %dma_wait3A_23 = tpu.memref_slice %arg2[%dma_wait3A_21, %dma_wait3A_22] : memref<200000x128xf32, #tpu.memory_space<hbm>> -> memref<200000x128xf32, #tpu.memory_space<hbm>>
    tpu.wait_indirect_dma semaphore(%arg11 : memref<!tpu.dma_semaphore, #tpu.memory_space<semaphore_mem>>) src(%dma_wait3A_23 : memref<200000x128xf32, #tpu.memory_space<hbm>>) dst(%arg9 : memref<128x128xf32, #tpu.memory_space<vmem>>)
    %mul3A_24 = arith.constant 1024 : i32
    %mul3A_25 = arith.muli %and3A_1, %mul3A_24 : i32
    %mul3A_26 = arith.constant 128 : i32
    %mul3A_27 = arith.muli %shift_right_arithmetic3A_2, %mul3A_26 : i32
    %add3A_28 = arith.addi %mul3A_25, %mul3A_27 : i32
    "tpu.region"() ({
      %run_scoped3A = tpu.sem_alloc : memref<!tpu.dma_semaphore, #tpu.memory_space<semaphore_mem>>
      %dma_start3A_32 = arith.constant 0 : i32
      %dma_start3A_33 = tpu.memref_slice %arg5[%add3A_28, %dma_start3A_32] : memref<4096x128xf32, #tpu.memory_space<hbm>> -> memref<128x128xf32, #tpu.memory_space<hbm>>
      %dma_start3A_34 = arith.constant 0 : i32
      %dma_start3A_35 = tpu.memref_slice %arg5[%add3A_28, %dma_start3A_34] : memref<4096x128xf32, #tpu.memory_space<hbm>> -> memref<128x128xf32, #tpu.memory_space<hbm>>
      tpu.enqueue_dma source(%arg9 : memref<128x128xf32, #tpu.memory_space<vmem>>) target(%dma_start3A_35 : memref<128x128xf32, #tpu.memory_space<hbm>>) target_semaphore(%run_scoped3A : memref<!tpu.dma_semaphore, #tpu.memory_space<semaphore_mem>>)
      %dma_wait3A_36 = arith.constant 0 : i32
      %dma_wait3A_37 = tpu.memref_slice %arg5[%add3A_28, %dma_wait3A_36] : memref<4096x128xf32, #tpu.memory_space<hbm>> -> memref<128x128xf32, #tpu.memory_space<hbm>>
      %dma_wait3A_38 = arith.constant 0 : i32
      %dma_wait3A_39 = tpu.memref_slice %arg5[%add3A_28, %dma_wait3A_38] : memref<4096x128xf32, #tpu.memory_space<hbm>> -> memref<128x128xf32, #tpu.memory_space<hbm>>
      tpu.wait_dma2 semaphore(%run_scoped3A : memref<!tpu.dma_semaphore, #tpu.memory_space<semaphore_mem>>) src(%arg9 : memref<128x128xf32, #tpu.memory_space<vmem>>) dst(%dma_wait3A_39 : memref<128x128xf32, #tpu.memory_space<hbm>>)
      tpu.yield
    }) : () -> ()
    %convert_element_type3A_29 = arith.extui %lt3A_5 : i1 to i32
    %cond3A_30 = arith.constant 0 : i32
    %cond3A_31 = arith.cmpi ne, %convert_element_type3A_29, %cond3A_30 : i32
    scf.if %cond3A_31 {
      %mul3A_32 = arith.constant 96 : i32
      %mul3A_33 = arith.muli %and3A_1, %mul3A_32 : i32
      %mul3A_34 = arith.constant 16 : i32
      %mul3A_35 = arith.muli %shift_right_arithmetic3A_2, %mul3A_34 : i32
      %add3A_36 = arith.addi %mul3A_33, %mul3A_35 : i32
      %dma_wait3A_37 = arith.constant 0 : i32
      %dma_wait3A_38 = tpu.memref_slice %arg6[%add3A_36, %dma_wait3A_37] : memref<384x128xf32, #tpu.memory_space<hbm>> -> memref<16x128xf32, #tpu.memory_space<hbm>>
      %dma_wait3A_39 = arith.constant 0 : i32
      %dma_wait3A_40 = tpu.memref_slice %arg6[%add3A_36, %dma_wait3A_39] : memref<384x128xf32, #tpu.memory_space<hbm>> -> memref<16x128xf32, #tpu.memory_space<hbm>>
      tpu.wait_dma2 semaphore(%arg12 : memref<!tpu.dma_semaphore, #tpu.memory_space<semaphore_mem>>) src(%arg10 : memref<16x128xf32, #tpu.memory_space<vmem>>) dst(%dma_wait3A_40 : memref<16x128xf32, #tpu.memory_space<hbm>>)
    } else {
    }
    return
  }
}

</mosaic_0001>

<sc_bundles>
// kernel: kernel.3.cloned.1.call-start
scs
__scs_entry_jumppad:
0x0: {  	(pc) =	sbr.rel $0x88, $3  }
0x1: {  	(tag) =	ssettag $0x0;
	lr =	simm.s32 $0x1  }
0x2: {  	[smem:$0x3F9E] =	sst lr;
	_ =	strace $0xD0000000  }
0x3: {  	_ = 	snop  }
0x4: {  	_ = 	snop  }
0x5: {  	_ = 	snop  }
0x6: {  	_ = 	snop  }
0x7: {  	_ = 	snop  }
__scs_overlays_trampoline_lowered:
0x8: {  	[smem:$0x3FAD] =	sst s0  }
0x9: {  	[smem:$0x3FAE] =	sst s1  }
0xa: {  	[smem:$0x3FAF] =	sst s2  }
0xb: {  	[smem:$0x3FB0] =	sst s3  }
0xc: {  	[smem:$0x3FB1] =	sst s4  }
0xd: {  	[smem:$0x3FB2] =	sst s5  }
0xe: {  	[smem:$0x3FB3] =	sst s6  }
0xf: {  	[smem:$0x3FB4] =	sst s7  }
0x10: {  	[smem:$0x3FB5] =	sst s8  }
0x11: {  	[smem:$0x3FB6] =	sst s9;
	s0 =	simm.s32 @!p0 $0x0  }
0x12: {  	s1 =	sld [smem:$0x3F9C];
	s0 =	simm.s32 @p0 $0x1  }
0x13: {  	[smem:$0x3FB7] =	sst s0;
	s0 =	simm.s32 @!p1 $0x0  }
0x14: {  	s2 =	sld [smem:$0x3F9B];
	s0 =	simm.s32 @p1 $0x1  }
0x15: {  	[smem:$0x3FB8] =	sst s0;
	s0 =	simm.s32 @!p2 $0x0  }
0x16: {  	s3 =	sld [smem:$0x3FDB];
	s0 =	simm.s32 @p2 $0x1  }
0x17: {  	s4 =	simm.s32 $0x1BF5;
	[smem:$0x3FBA] =	sst s0  }
0x18: {  	s0 =	sld [smem:$0x3F9D];
	_ =	swait.ge [sflag:s4], $0x0  }
0x19: {  	s7 =	sld [smem:$0x3F9E]  }
0x1a: {  	s8 =	sadd.s32 $0xFFFFE003, lr  }
0x1b: {  	s9 =	sadd.s32 $0xFFFFFEF7, lr;
	s5 =	simm.s32 $0xFFFFFFFF;
	p2 =	slt.u32 s8, $0xFFFFF086  }
0x1c: {  	p1 =	slt.u32 s9, $0xF7A;
	s5 =	simm.s32 @!p2 $0x0  }
0x1d: {  	s5 =	simm.s32 @p1 $0x1;
	p0 =	seq.s32 s7, s2  }
0x1e: {  	s7 =	smul.u32 @!p0 $0xF7A, s2;
	p2 =	seq.s32 @!p0 s5, $0x0  }
0x1f: {  	s9 =	smul.u32 $0xF7A, s1;
	s8 =	simm.s32 @!p0 $0x1BF5;
	p2 =	por !p2, p0  }
0x20: {  	[sflag:s8] =	ssyncset.s32 @!p0 $0xFFFFF086;
	s6 =	sadd.s32 @!p0 s3, s7;
	s7 =	simm.s32 @!p0 $0x108  }
0x21: {  	s3 =	sadd.s32 s3, s9;
	s6 =	sadd.s32 @!p0 $0x88, s6;
	s7 =	simm.s32 @p2 $0x1082  }
0x22: {  	[simem:s7], [sflag:s8] =	dma.local @!p0 [hbm:s6], $0xF7A  }
0x23: {  	s9 =	sor.u32 $0xD0000000, s2;
	s6 =	simm.s32 $0x108;
	_ =	swait.ge @!p0 [sflag:s8], $0x0  }
0x24: {  	s3 =	sadd.s32 $0x88, s3;
	s6 =	simm.s32 @!p1 $0x1082;
	[sflag:s4] =	ssyncset.s32 $0xFFFFF086  }
0x25: {  	[simem:s6], [sflag:s4] =	dma.local [hbm:s3], $0xF7A  }
0x26: {  	[smem:$0x3F9E] =	sst s1;
	(tag) =	ssettag s2;
	_ =	strace s9  }
0x27: {  	s1 =	sld [smem:$0x3FAE]  }
0x28: {  	s2 =	sld [smem:$0x3FAF]  }
0x29: {  	s4 =	sld [smem:$0x3FB1]  }
0x2a: {  	p0 =	seq.s32 s5, $0x0;
	s5 =	sld [smem:$0x3FB2]  }
0x2b: {  	s6 =	sld [smem:$0x3FB3]  }
0x2c: {  	s7 =	sld [smem:$0x3FB4]  }
0x2d: {  	s3 =	simm.s32 $0x108;
	s8 =	sld [smem:$0x3FB5]  }
0x2e: {  	s3 =	simm.s32 @!p0 $0x1082;
	s9 =	sld [smem:$0x3FB6]  }
0x2f: {  	lr =	sadd.s32 s0, s3;
	s0 =	sld [smem:$0x3FAD]  }
0x30: {  	s3 =	sld [smem:$0x3FB0]  }
0x31: {  	[smem:$0x3FB9] =	sst s10  }
0x32: {  	s10 =	sld [smem:$0x3FB7];
	_ =	sdelay $0x3  }
0x33: {  	p0 =	seq.s32 s10, $0x1;
	s10 =	sld [smem:$0x3FB9];
	_ =	sdelay $0x3  }
0x34: {  	[smem:$0x3FB9] =	sst s10  }
0x35: {  	s10 =	sld [smem:$0x3FB8];
	_ =	sdelay $0x3  }
0x36: {  	p1 =	seq.s32 s10, $0x1;
	s10 =	sld [smem:$0x3FB9];
	_ =	sdelay $0x3  }
0x37: {  	[smem:$0x3FB9] =	sst s10  }
0x38: {  	s10 =	sld [smem:$0x3FBA]  }
0x39: {  	_ = 	snop;
	(pc) =	sbr.ind lr, $3  }
0x3a: {  	_ = 	snop  }
0x3b: {  	_ = 	snop  }
0x3c: {  	p2 =	seq.s32 s10, $0x1;
	s10 =	sld [smem:$0x3FB9]  }
0x3d: {  	_ =	shalt  }
0x3e: {  	_ =	shalt  }
0x3f: {  	_ =	shalt  }
0x40: {  	_ =	shalt  }
0x41: {  	_ =	shalt  }
0x42: {  	_ =	shalt  }
0x43: {  	_ =	shalt  }
0x44: {  	_ =	shalt  }
0x45: {  	_ =	shalt  }
0x46: {  	_ =	shalt  }
0x47: {  	_ =	shalt  }
0x48: {  	_ =	shalt  }
0x49: {  	_ =	shalt  }
0x4a: {  	_ =	shalt  }
0x4b: {  	_ =	shalt  }
0x4c: {  	_ =	shalt  }
0x4d: {  	_ =	shalt  }
0x4e: {  	_ =	shalt  }
0x4f: {  	_ =	shalt  }
0x50: {  	_ =	shalt  }
0x51: {  	_ =	shalt  }
0x52: {  	_ =	shalt  }
0x53: {  	_ =	shalt  }
0x54: {  	_ =	shalt  }
0x55: {  	_ =	shalt  }
0x56: {  	_ =	shalt  }
0x57: {  	_ =	shalt  }
0x58: {  	_ =	shalt  }
0x59: {  	_ =	shalt  }
0x5a: {  	_ =	shalt  }
0x5b: {  	_ =	shalt  }
0x5c: {  	_ =	shalt  }
0x5d: {  	_ =	shalt  }
0x5e: {  	_ =	shalt  }
0x5f: {  	_ =	shalt  }
0x60: {  	_ =	shalt  }
0x61: {  	_ =	shalt  }
0x62: {  	_ =	shalt  }
0x63: {  	_ =	shalt  }
0x64: {  	_ =	shalt  }
0x65: {  	_ =	shalt  }
0x66: {  	_ =	shalt  }
0x67: {  	_ =	shalt  }
0x68: {  	_ =	shalt  }
0x69: {  	_ =	shalt  }
0x6a: {  	_ =	shalt  }
0x6b: {  	_ =	shalt  }
0x6c: {  	_ =	shalt  }
0x6d: {  	_ =	shalt  }
0x6e: {  	_ =	shalt  }
0x6f: {  	_ =	shalt  }
0x70: {  	_ =	shalt  }
0x71: {  	_ =	shalt  }
0x72: {  	_ =	shalt  }
0x73: {  	_ =	shalt  }
0x74: {  	_ =	shalt  }
0x75: {  	_ =	shalt  }
0x76: {  	_ =	shalt  }
0x77: {  	_ =	shalt  }
0x78: {  	_ =	shalt  }
0x79: {  	_ =	shalt  }
0x7a: {  	_ =	shalt  }
0x7b: {  	_ =	shalt  }
0x7c: {  	_ =	shalt  }
0x7d: {  	_ =	shalt  }
0x7e: {  	_ =	shalt  }
0x7f: {  	_ =	shalt  }
0x80: {  	_ =	shalt  }
0x81: {  	_ =	shalt  }
0x82: {  	_ =	shalt  }
0x83: {  	_ =	shalt  }
0x84: {  	_ =	shalt  }
0x85: {  	_ =	shalt  }
0x86: {  	_ =	shalt  }
0x87: {  	_ =	shalt  }
.Lfunc_end0:
.L_simem_size_0:
called_computation_lowered:
.L_overlay_start_0:
0x88: {  	s2 =	sld [smem:$0x3FD9]  }
0x89: {  	s3 =	sld [smem:$0x3FFE];
	_ =	sdelay $0x1  }
0x8a: {  	s1 =	srdreg.scid  }
0x8b: {  	s0 =	sand.u32 $0x1, s1  }
0x8c: {  	s17 =	sshll.u32 s0, $0xA;
	s2 =	sadd.s32 s3, s2  }
0x8d: {  	s2 =	sadd.s32 s2, s17  }
0x8e: {  	[smem:$0x3FC5] =	sst s2  }
0x8f: {  	_ = 	snop  }
0x90: {  	s2 =	sld [smem:$0x3FC9]  }
0x91: {  	s18 =	sld [smem:$0x3FC8]  }
0x92: {  	s4 =	sld [smem:$0x3FC7];
	(tm) =	ssettm $0x1  }
0x93: {  	s5 =	sld [smem:$0x3FFB];
	_ =	sdelay $0x3  }
0x94: {  	_ =	strace s5  }
0x95: {  	s5 =	sld [smem:$0x3FFC];
	_ =	sdelay $0x3  }
0x96: {  	_ =	strace s5  }
0x97: {  	s5 =	sld [smem:$0x3FFD];
	_ =	sdelay $0x3  }
0x98: {  	_ =	strace s5  }
0x99: {  	_ =	strace $0x8FFFFFFF  }
0x9a: {  	s19 =	sld [smem:$0x3FDB];
	_ =	sdelay $0x1  }
0x9b: {  	s6 =	simm.s32 $_scs_section_size  }
0x9c: {  	s7 =	simm.s32 $_size__tile_overlayer_lowered;
	s8 =	simm.s32 $_tile_overlayer_lowered  }
0x9d: {  	s22 =	simm.s32 $0x1BFF;
	s21 =	sshll.u32 s8, $0x1;
	s5 =	sadd.s32 s6, s19  }
0x9e: {  	s9 =	simm.s32 $0x0;
	s20 =	sshll.u32 s7, $0x1;
	s7 =	sadd.s32 s21, s5  }
0x9f: {  	[timem:s9], [sflag:s22] =	dma.local [hbm:s7], s20  }
0xa0: {  	_ =	swait.ge [sflag:s22], s20  }
0xa1: {  	s6 =	ssub.s32 $0x0, s20;
	[sflag:s22] =	ssyncset.done $0x0  }
0xa2: {  	[sflag:s22] =	ssyncadd.s32 s6;
	_ =	sdelay $0x1  }
0xa3: {  	s23 =	simm.s32 $0x1B8B  }
0xa4: {  	_ =	swait.ge [sflag:s23], $0x1  }
0xa5: {  	[sflag:s23] =	ssyncset.done $0x0  }
0xa6: {  	s25 =	simm.s32 $0x1B8E;
	s24 =	sld [smem:$0x3FFE];
	[sflag:s23] =	ssyncadd.s32 $0xFFFFFFFF  }
0xa7: {  	s26 =	simm.s32 $execute0_lowered;
	[smem:$0x3FD2] =	sst s25  }
0xa8: {  	s7 =	sshll.u32 s26, $0x1;
	_ =	strace $0x80000046;
	[dreg:$0x1] =	wrdreg $0xFFFFFFFF  }
0xa9: {  	s28 =	simm.s32 $_size_execute0_lowered;
	s5 =	sadd.s32 s5, s7;
	[dreg:$0x0] =	wrdreg $0x0  }
0xaa: {  	s7 =	sshll.u32 s28, $0x1;
	[dreg:$0x2] =	wrdreg s5  }
0xab: {  	[dreg:$0x3] =	wrdreg s7  }
0xac: {  	[dreg:$0x4] =	wrdreg $0xC0  }
0xad: {  	_ =	task [dreg:s9], $0x5FFFF  }
0xae: {  	[dreg:$0x1] =	wrdreg $0xFFFFFFFF  }
0xaf: {  	[dreg:$0x0] =	wrdreg $0x60  }
0xb0: {  	[dreg:$0x2] =	wrdreg s2  }
0xb1: {  	[dreg:$0x3] =	wrdreg s18  }
0xb2: {  	[dreg:$0x4] =	wrdreg s4  }
0xb3: {  	[dreg:$0x5] =	wrdreg s24  }
0xb4: {  	[dreg:$0x6] =	wrdreg $0x9  }
0xb5: {  	_ =	task.clear_ibuf [dreg:s9], $0x7FFFF;
	_ =	strace $0x90000046  }
0xb6: {  	s29 =	simm.s32 $0x9;
	_ =	strace $0x80000048  }
0xb7: {  	_ =	swait.ge [sflag:s29], $0x1  }
0xb8: {  	[sflag:s29] =	ssyncadd.s32 $0xFFFFFFFF  }
0xb9: {  	_ =	strace $0x90000048  }
0xba: {  	_ =	sfence  }
0xbb: {  	s30 =	sld [smem:$0x0];
	_ =	sdelay $0x2  }
0xbc: {  	s31 =	sshll.u32 s1, $0xD;
	s1 =	sshrl.u32 s1, $0x2  }
0xbd: {  	s3 =	sand.u32 $0x4000, s31;
	s1 =	sadd.s32 s1, s30  }
0xbe: {  	s0 =	sor.u32 s3, s0;
	s1 =	sshll.u32 s1, $0x11  }
0xbf: {  	s0 =	sor.u32 s1, s0  }
0xc0: {  	s0 =	sadd.s32 $0x8F2B, s0  }
0xc1: {  	[sflag:s0] =	ssyncadd.remote.s32 $0x1  }
0xc2: {  	_ =	sfence.sel $0xFFFF  }
0xc3: {  	[dreg:$0x0] =	wrdreg $0xFFFFFFFF;
	(pc) =	sbr.abs _section_cstart, $3  }
0xc4: {  	[dreg:$0x1] =	wrdreg $0xFFFFFFFF  }
0xc5: {  	_ =	task.clear_ibuf [dreg:s9], $0x2FFFF;
	_ =	strace $0x9FFFFFFF  }
0xc6: {  	(tm) =	ssettm $0x7FFFFFFF  }
0xc7: {  	_ =	shalt  }
tec
execute0_lowered:
.L_overlay_start_1:
0x0: {  	(tag) =	ssettag $0x1  }
0x1: {  	s3 =	rddreg [dreg:$0x0]  }
0x2: {  	s4 =	rddreg [dreg:$0x1]  }
0x3: {  	s6 =	rddreg [dreg:$0x2]  }
0x4: {  	s14 =	rddreg [dreg:$0x3]  }
0x5: {  	s0 =	rddreg [dreg:$0x4];
	s2 =	simm.s32 $0x0;
	s1 =	stileid.u32  }
0x6: {  	[smem:$0x7FF] =	sst s2;
	s10 =	sshrl.u32 s1, $0x1  }
0x7: {  	s7 =	sand.u32 $0xE, s1;
	p0 =	sgt.u32 s1, $0xB;
	s5 =	sshll.u32 s10, $0x4  }
0x8: {  	_ =	strace $0x80000047;
	s6 =	sadd.s32 s6, s7;
	s5 =	sadd.s32 s4, s5  }
0x9: {  	[tilespmem:s2], [sflag:$0x1] =	stream.linear.gather [hbm4b:s5+s2], $0x80, $0x38;
	[tilespmem:$0x4900] =	vst v63  }
0xa: {  	s7 =	simm.s32 @!p0 $0x0;
	s8 =	simm.s32 @!p0 $0x80;
	s4 =	simm.s32 @!p0 $0x2  }
0xb: {  	[tilespmem:s8], [sflag:$0x2] =	stream.linear.gather @!p0 [hbm4b:s6+s7], $0x10, $0x38;
	[tilespmem:$0x4900] =	vst v63  }
0xc: {  	_ =	swait.ge @!p0 [sflag:s4], $0x10  }
0xd: {  	[sflag:s4] =	ssyncset.done @!p0 $0x0  }
0xe: {  	s9 =	srdreg.scid;
	s11 =	sshll.u32 s1, $0x1;
	[sflag:s4] =	ssyncadd.s32 @!p0 $0xFFFFFFF0  }
0xf: {  	s12 =	sand.u32 $0x1, s9;
	s29 =	sand.u32 $0x2, s11;
	v1 =	vld @!p0 [tilespmem:$0x80]  }
0x10: {  	s15 =	sor.u32 s12, s29  }
0x11: {  	s9 =	smul.u32 $0xC350, s15;
	_ =	sdelay $0x1  }
0x12: {  	v0 =	vmov s9  }
0x13: {  	v1 =	vadd.s32 @!p0 v0, v1  }
0x14: {  	s9 =	simm.s32 $0x1;
	[tilespmem:$0x80] =	vst @!p0 v1  }
0x15: {  	_ =	swait.ge [sflag:s9], $0x80  }
0x16: {  	[sflag:s9] =	ssyncset.done $0x0  }
0x17: {  	[sflag:s9] =	ssyncadd.s32 $0xFFFFFF80  }
0x18: {  	v1 =	vld [tilespmem:$0x70]  }
0x19: {  	v2 =	vld [tilespmem:$0x30]  }
0x1a: {  	v3 =	vld [tilespmem:$0x50]  }
0x1b: {  	v5 =	vld [tilespmem:$0x20]  }
0x1c: {  	v4 =	vld [tilespmem:$0x60]  }
0x1d: {  	v6 =	vld [tilespmem:$0x10];
	v1 =	vadd.s32 v0, v1  }
0x1e: {  	v7 =	vld [tilespmem:$0x40];
	v2 =	vadd.s32 v0, v2;
	[tilespmem:$0x70] =	vst v1  }
0x1f: {  	v1 =	vld [tilespmem:$0x0];
	[tilespmem:$0x30] =	vst v2;
	v2 =	vadd.s32 v0, v3  }
0x20: {  	v3 =	vadd.s32 v0, v5;
	[tilespmem:$0x50] =	vst v2  }
0x21: {  	s30 =	smul.u32 $0x3000, s15;
	v2 =	vadd.s32 v0, v4;
	[tilespmem:$0x20] =	vst v3  }
0x22: {  	s10 =	sshll.u32 s10, $0xB;
	s18 =	ssub.s32 $0x2, s12;
	[tilespmem:$0x60] =	vst v2;
	v2 =	vadd.s32 v0, v6  }
0x23: {  	s17 =	sadd.s32 s10, s14;
	s19 =	sshrl.u32 s18, $0x1;
	s11 =	sadd.s32 s10, s30;
	[tilespmem:$0x10] =	vst v2;
	v2 =	vadd.s32 v0, v7  }
0x24: {  	s31 =	ssub.s32 s18, s19;
	s10 =	simm.s32 $0x100;
	s16 =	sshrl.u32 s11, $0x3;
	[tilespmem:$0x40] =	vst v2;
	v1 =	vadd.s32 v0, v1  }
0x25: {  	s11 =	simm.s32 $0x80;
	s14 =	sadd.s32 s16, s14;
	s16 =	smax.u32 s31, $0x1;
	[tilespmem:$0x0] =	vst v1  }
0x26: {  	[tilespmem:s10], [sflag:$0x1] =	stream.indirect.gather [hbm4b:s3+s11], $0x80, s2, s11, $0xb8;
	[tilespmem:$0x4900] =	vst v63  }
0x27: {  	s13 =	simm.s32 @!p0 $0x4100;
	s12 =	simm.s32 @!p0 $0x10;
	s16 =	sadd.s32 $0xFFFFFFFF, s16  }
0x28: {  	[tilespmem:s13], [sflag:$0x2] =	stream.indirect.gather @!p0 [hbm4b:s3+s12], $0x80, s8, s12, $0xb8;
	[tilespmem:$0x4900] =	vst v63  }
0x29: {  	p1 =	sne.s32 s16, $0x0;
	_ =	swait.ge @!p0 [sflag:s4], $0x800  }
.Ltmp0:
0x2a: {  	[sflag:s4] =	ssyncset.done @!p0 $0x0;
	(pc) =	sbr.rel @!p1 .LBB2_2-.Ltmp0, $4  }
0x2b: {  	s15 =	sshll.u32 s15, $0xE;
	s14 =	sadd.s32 $0x10A00, s14;
	[sflag:s4] =	ssyncadd.s32 @!p0 $0xFFFFF800  }
0x2c: {  	[hbm4b:s14+s7] =	stream.linear.scatter @!p0 [tilespmem:s13], [sflag:$0x2], $0x800, $0x38;
	[tilespmem:$0x4900] =	vst v63  }
0x2d: {  	s15 =	sadd.s32 s15, s17;
	_ =	swait.ge [sflag:s9], $0x4000  }
0x2e: {  	s17 =	sadd.s32 $0xA00, s15;
	s15 =	simm.s32 $0x3;
	[sflag:s9] =	ssyncset.done $0x0  }
.LBB2_1:
0x2f: {  	s16 =	sadd.s32 $0xFFFFFFFF, s16;
	[sflag:s9] =	ssyncadd.s32 $0xFFFFC000  }
0x30: {  	[hbm4b:s17+s2] =	stream.linear.scatter [tilespmem:s10], [sflag:$0x3], $0x4000, $0x38;
	[tilespmem:$0x4900] =	vst v63  }
0x31: {  	p1 =	sne.s32 s16, $0x0;
	_ =	swait.ge [sflag:s15], $0x4000  }
0x32: {  	[sflag:s15] =	ssyncset.done $0x0  }
0x33: {  	[sflag:s15] =	ssyncadd.s32 $0xFFFFC000  }
0x34: {  	_ =	swait.ge @!p0 [sflag:s4], $0x800  }
0x35: {  	[sflag:s4] =	ssyncset.done @!p0 $0x0  }
0x36: {  	[sflag:s4] =	ssyncadd.s32 @!p0 $0xFFFFF800  }
0x37: {  	[tilespmem:s2], [sflag:$0x1] =	stream.linear.gather [hbm4b:s5+s2], $0x80, $0x38;
	[tilespmem:$0x4900] =	vst v63  }
0x38: {  	_ = 	snop  }
0x39: {  	[tilespmem:s8], [sflag:$0x2] =	stream.linear.gather @!p0 [hbm4b:s6+s7], $0x10, $0x38;
	[tilespmem:$0x4900] =	vst v63  }
0x3a: {  	_ =	swait.ge @!p0 [sflag:s4], $0x10  }
0x3b: {  	[sflag:s4] =	ssyncset.done @!p0 $0x0  }
0x3c: {  	[sflag:s4] =	ssyncadd.s32 @!p0 $0xFFFFFFF0  }
0x3d: {  	v1 =	vld @!p0 [tilespmem:$0x80];
	_ =	sdelay $0x4  }
0x3e: {  	v1 =	vadd.s32 @!p0 v0, v1  }
0x3f: {  	[tilespmem:$0x80] =	vst @!p0 v1  }
0x40: {  	_ =	swait.ge [sflag:s9], $0x80  }
0x41: {  	[sflag:s9] =	ssyncset.done $0x0  }
0x42: {  	[sflag:s9] =	ssyncadd.s32 $0xFFFFFF80  }
0x43: {  	v1 =	vld [tilespmem:$0x70]  }
0x44: {  	v2 =	vld [tilespmem:$0x30]  }
0x45: {  	v3 =	vld [tilespmem:$0x50]  }
0x46: {  	v4 =	vld [tilespmem:$0x60]  }
0x47: {  	v5 =	vld [tilespmem:$0x20]  }
0x48: {  	v6 =	vld [tilespmem:$0x10];
	v1 =	vadd.s32 v0, v1  }
0x49: {  	v2 =	vadd.s32 v0, v2;
	v7 =	vld [tilespmem:$0x40];
	[tilespmem:$0x70] =	vst v1  }
0x4a: {  	v1 =	vld [tilespmem:$0x0];
	[tilespmem:$0x30] =	vst v2;
	v2 =	vadd.s32 v0, v3  }
0x4b: {  	[tilespmem:$0x50] =	vst v2;
	v2 =	vadd.s32 v0, v4  }
0x4c: {  	v3 =	vadd.s32 v0, v5;
	[tilespmem:$0x60] =	vst v2  }
0x4d: {  	v2 =	vadd.s32 v0, v6;
	[tilespmem:$0x20] =	vst v3  }
0x4e: {  	[tilespmem:$0x10] =	vst v2;
	v2 =	vadd.s32 v0, v7  }
0x4f: {  	v1 =	vadd.s32 v0, v1;
	[tilespmem:$0x40] =	vst v2  }
0x50: {  	[tilespmem:$0x0] =	vst v1  }
0x51: {  	[tilespmem:s10], [sflag:$0x1] =	stream.indirect.gather [hbm4b:s3+s11], $0x80, s2, s11, $0xb8;
	[tilespmem:$0x4900] =	vst v63  }
0x52: {  	_ = 	snop  }
0x53: {  	[tilespmem:s13], [sflag:$0x2] =	stream.indirect.gather @!p0 [hbm4b:s3+s12], $0x80, s8, s12, $0xb8;
	[tilespmem:$0x4900] =	vst v63  }
0x54: {  	_ =	swait.ge @!p0 [sflag:s4], $0x800  }
.Ltmp1:
0x55: {  	[sflag:s4] =	ssyncset.done @!p0 $0x0;
	(pc) =	sbr.rel @p1 .LBB2_1-.Ltmp1, $4  }
0x56: {  	[sflag:s4] =	ssyncadd.s32 @!p0 $0xFFFFF800  }
0x57: {  	[hbm4b:s14+s7] =	stream.linear.scatter @!p0 [tilespmem:s13], [sflag:$0x2], $0x800, $0x38;
	[tilespmem:$0x4900] =	vst v63  }
0x58: {  	_ =	swait.ge [sflag:s9], $0x4000  }
0x59: {  	[sflag:s9] =	ssyncset.done $0x0  }
.LBB2_2:
0x5a: {  	[sflag:s9] =	ssyncadd.s32 $0xFFFFC000  }
0x5b: {  	[hbm4b:s17+s2] =	stream.linear.scatter [tilespmem:s10], [sflag:$0x3], $0x4000, $0x38;
	[tilespmem:$0x4900] =	vst v63  }
0x5c: {  	_ =	swait.ge [sflag:s15], $0x4000  }
0x5d: {  	[sflag:s15] =	ssyncset.done $0x0  }
0x5e: {  	[sflag:s15] =	ssyncadd.s32 $0xFFFFC000  }
0x5f: {  	_ =	swait.ge @!p0 [sflag:s4], $0x800  }
0x60: {  	[sflag:s4] =	ssyncset.done @!p0 $0x0  }
0x61: {  	[sflag:s4] =	ssyncadd.s32 @!p0 $0xFFFFF800  }
0x62: {  	_ =	sfence.sel $0x180000  }
0x63: {  	[bflag:$0x0] =	sbarrier.arrive $0xFFFF  }
0x64: {  	p0 =	sne.s32 s1, $0x0;
	_ =	strace $0x90000047  }
0x65: {  	s0 =	sadd.s32 @!p0 $0x100000, s0;
	[bflag:$0x2] =	sbarrier.arrive $0xFFFF  }
0x66: {  	[sflag:s0] =	ssyncadd.tile.s32 @!p0 $0x1;
	_ =	shalt  }
.Lfunc_end2:
_tile_overlayer_lowered:
.L_overlay_start_2:
0x67: {  	(tag) =	ssettag $0x2  }
0x68: {  	s0 =	rddreg [dreg:$0x0];
	s2 =	stileid.u32  }
0x69: {  	s1 =	rddreg [dreg:$0x1];
	p0 =	sne.s32 s2, $0x0  }
0x6a: {  	s3 =	rddreg [dreg:$0x2];
	[bflag:$0x3] =	sbarrier.arrive $0xFFFF;
	s2 =	simm.s32 @!p0 $0x1C03  }
0x6b: {  	[timem:s3], [sflag:s2] =	dma.local @!p0 [hbm:s0], s1  }
0x6c: {  	s0 =	simm.s32 @!p0 $0x3  }
0x6d: {  	_ =	swait.ge @!p0 [sflag:s0], s1  }
0x6e: {  	s1 =	ssub.s32 @!p0 $0x0, s1;
	[sflag:s0] =	ssyncset.done @!p0 $0x0  }
0x6f: {  	[sflag:s0] =	ssyncadd.s32 @!p0 s1  }
0x70: {  	[bflag:$0x3] =	sbarrier.arrive $0xFFFF  }
0x71: {  	_ =	shalt  }

</sc_bundles>
